<compile_context>
chip_gen: v7x
topology: tpu7x:2x2x1
jax: 0.10.2.dev20260603
libtpu: 0.0.44.dev20260713+nightly
codegen_flags: <defaults>
</compile_context>

<pallas_src>
import functools

import jax
import jax.numpy as jnp
from jax import lax
from jax.experimental import pallas as pl
from jax.experimental.pallas import tpu as pltpu
from jax.experimental.pallas import tpu_sc as plsc

_N = 10000
_E = 320000
_D = 128
_GAMMA = 0.5

_NC = 2
_NS = 16
_NW = _NC * _NS
_L = 16
_EPW = _E // _NW
_U = 5
_EW = _EPW + 112
_MVB = 2048
_NP = 10240


def _mv_body(b_ref, d_ref, x_ref, o_ref, s_ref):
    wt = jnp.stack([b_ref[...], d_ref[...]], axis=0)
    m = lax.dot_general(
        wt, x_ref[...], (((1,), (1,)), ((), ())),
        preferred_element_type=jnp.float32,
        precision=lax.Precision.HIGHEST,
    )
    o_ref[...] = m
    s_ref[...] = m[1, :]


def _matvecs(beta, delta, x):
    return pl.pallas_call(
        _mv_body,
        grid=(_NP // _MVB,),
        in_specs=[
            pl.BlockSpec((_D,), lambda i: (0,)),
            pl.BlockSpec((_D,), lambda i: (0,)),
            pl.BlockSpec((_MVB, _D), lambda i: (i, 0)),
        ],
        out_specs=[
            pl.BlockSpec((2, _MVB), lambda i: (0, i)),
            pl.BlockSpec((_MVB,), lambda i: (i,)),
        ],
        out_shape=[
            jax.ShapeDtypeStruct((2, _NP), jnp.float32),
            jax.ShapeDtypeStruct((_NP,), jnp.float32),
        ],
    )(beta, delta, x)


_mesh = plsc.VectorSubcoreMesh(core_axis_name="c", subcore_axis_name="s")


@functools.partial(
    pl.kernel,
    mesh=_mesh,
    compiler_params=pltpu.CompilerParams(needs_layout_passes=False),
    out_type=[
        jax.ShapeDtypeStruct((_NW, _N), jnp.float32),
        jax.ShapeDtypeStruct((_NW, _N), jnp.float32),
        jax.ShapeDtypeStruct((_NW, _L), jnp.int32),
    ],
    scratch_types=[
        pltpu.VMEM((2, _EW), jnp.int32),
        pltpu.VMEM((_NP,), jnp.float32),
        pltpu.VMEM((_N,), jnp.float32),
        pltpu.VMEM((_N,), jnp.float32),
        pltpu.VMEM((_L,), jnp.int32),
        pltpu.SemaphoreType.DMA,
        pltpu.SemaphoreType.DMA,
    ],
)
def _edge_kernel(ei_hbm, s_hbm, t_out, c_out, m_out,
                 ed_v, s_v, t_v, c_v, m_v, sem0, sem1):
    cid = lax.axis_index("c")
    sid = lax.axis_index("s")
    wid = cid * _NS + sid
    base = wid * _EPW
    abase = (base // 128) * 128
    off0 = base - abase

    cp0 = pltpu.async_copy(ei_hbm.at[:, pl.ds(abase, _EW)], ed_v, sem0)
    cp1 = pltpu.async_copy(s_hbm, s_v, sem1)

    zeros = jnp.zeros((_L,), jnp.float32)

    def zero_body(i, carry):
        for j in range(_U):
            z = pl.multiple_of((i * _U + j) * _L, _L)
            t_v[pl.ds(z, _L)] = zeros
            c_v[pl.ds(z, _L)] = zeros
        return carry

    lax.fori_loop(0, _N // _L // _U, zero_body, 0)

    cp0.wait()
    cp1.wait()

    ones = jnp.ones((_L,), jnp.float32)

    def edge_body(i, m):
        svs = []
        dvs = []
        for j in range(_U):
            off = pl.multiple_of(off0 + (i * _U + j) * _L, _L)
            svs.append(ed_v[0, pl.ds(off, _L)])
            dvs.append(ed_v[1, pl.ds(off, _L)])
        gs = [plsc.load_gather(s_v, [sv]) for sv in svs]
        for j in range(_U):
            plsc.addupdate_scatter(t_v, [dvs[j]], gs[j])
        for j in range(_U):
            plsc.addupdate_scatter(c_v, [dvs[j]], ones)
        for j in range(_U):
            m = jnp.maximum(m, svs[j])
        return m

    m16 = lax.fori_loop(0, _EPW // _L // _U, edge_body,
                        jnp.zeros((_L,), jnp.int32))
    m_v[...] = m16

    wp0 = pltpu.async_copy(t_v, t_out.at[wid], sem0)
    wp1 = pltpu.async_copy(c_v, c_out.at[wid], sem1)
    wp0.wait()
    wp1.wait()
    pltpu.sync_copy(m_v, m_out.at[wid])


def _final_body(mt_ref, t_ref, c_ref, mx_ref, o_ref):
    t = jnp.sum(t_ref[...], axis=0, keepdims=True)
    c = jnp.sum(c_ref[...], axis=0, keepdims=True)
    mx = jnp.max(mx_ref[...]).astype(jnp.float32)
    bc = mt_ref[0:1, :_N]
    logits = bc + (_GAMMA * (mx + 1.0) / _E) * c + t / jnp.maximum(c, 1.0)
    mean = jnp.sum(logits) / _N
    d = logits - mean
    var = jnp.sum(d * d) / (_N - 1)
    y = jax.nn.sigmoid(lax.rsqrt(var) * d)
    o_ref[...] = jnp.concatenate([1.0 - y, y], axis=0)


def _finale(mt, tpart, cpart, mxpart):
    return pl.pallas_call(
        _final_body,
        out_shape=jax.ShapeDtypeStruct((2, _N), jnp.float32),
    )(mt, tpart, cpart, mxpart)


def kernel(x, edge_index, beta, delta):
    mt, s = _matvecs(beta, delta, x)
    tpart, cpart, mxpart = _edge_kernel(edge_index, s)
    return _finale(mt, tpart, cpart, mxpart).T

# --- scband reference (transcript-rebuilt; emitter-appended) ---
"""Pipeline reference for scband-beta-gamma-delta-net-18348100289103 (READ-ONLY COPY).

The authoritative reference and input builder live on the scoring server;
editing this copy changes nothing except your own understanding.
"""

import jax, jax.numpy as jnp
import numpy as np

N = 10000
E = 320000
D = 128
GAMMA = 0.5


def setup_inputs(seed: int = 0) -> dict:
    key = jax.random.key(seed)
    k1, k2, k3, k4 = jax.random.split(key, 4)
    x = jax.random.normal(k1, (N, D), dtype=jnp.float32)
    edge_index = jax.random.randint(k2, (2, E), 0, N, dtype=jnp.int32)
    beta = jax.random.normal(k3, (D,), dtype=jnp.float32)
    delta = jax.random.normal(k4, (D,), dtype=jnp.float32)
    return {"x": x, "edge_index": edge_index, "beta": beta, "delta": delta}


def _logits(x, edge_index, beta, delta):
    src = edge_index[0]
    dst = edge_index[1]
    # avg out-degree, faithful to np.bincount(edge_index[0]).mean():
    # sum(bincount) == E, len(bincount) == max(src)+1
    avg_degree = E / (jnp.max(src).astype(jnp.float32) + 1.0)
    # MeanFeatureLayer: scatter-add neighbor features by dst, divide by in-degree
    gathered = jnp.take(x, src, axis=0)               # gather [E, D]
    sum_feat = jax.ops.segment_sum(gathered, dst, num_segments=N)  # scatter-add [N, D]
    indeg = jnp.bincount(dst, length=N).astype(jnp.float32)        # [N]
    mean_feat = sum_feat / jnp.maximum(indeg, 1.0)[:, None]
    beta_comp = x @ beta                               # [N]
    delta_comp = mean_feat @ delta                     # [N]
    # GammaLayer: message = gamma/avg_degree * 1, aggr='add' over in-edges
    gamma_comp = (GAMMA / avg_degree) * indeg          # [N]
    return beta_comp + gamma_comp + delta_comp


def reference(x, edge_index, beta, delta):
    logits = _logits(x, edge_index, beta, delta)
    # __init__ computes y_mean / steepness from the same (x, edge_index)
    y_mean = jnp.mean(logits)
    steepness = 1.0 / jnp.std(logits, ddof=1)
    y = jax.nn.sigmoid(steepness * (logits - y_mean))
    return jnp.stack([1.0 - y, y], axis=1)            # [N, 2]

if __name__ == "__main__":
    import jax
    _d = setup_inputs()
    print(jax.jit(kernel)(*tuple(_d.values())))

</pallas_src>

<mosaic_0001>
#map = affine_map<(d0, d1) -> (0, 0)>
#map1 = affine_map<(d0, d1) -> (0)>
module attributes {stable_mosaic.version = 14 : i64} {
  func.func @_edge_kernel(%arg0: i32, %arg1: i32, %arg2: memref<2x320000xi32, #tpu.memory_space<hbm>>, %arg3: memref<10240xf32, #tpu.memory_space<hbm>>, %arg4: memref<32x10000xf32, #tpu.memory_space<hbm>>, %arg5: memref<32x10000xf32, #tpu.memory_space<hbm>>, %arg6: memref<32x16xi32, #tpu.memory_space<hbm>>, %arg7: memref<2x10112xi32, #tpu.memory_space<vmem>>, %arg8: memref<10240xf32, #tpu.memory_space<vmem>>, %arg9: memref<10000xf32, #tpu.memory_space<vmem>>, %arg10: memref<10000xf32, #tpu.memory_space<vmem>>, %arg11: memref<16xi32, #tpu.memory_space<vmem>>, %arg12: memref<!tpu.dma_semaphore, #tpu.memory_space<semaphore_mem>>, %arg13: memref<!tpu.dma_semaphore, #tpu.memory_space<semaphore_mem>>) attributes {dimension_semantics = [#tpu.dimension_semantics<core_parallel>, #tpu.dimension_semantics<subcore_parallel>], iteration_bounds = array<i64: 2, 16>, scalar_prefetch = 0 : i64, scratch_operands = 7 : i64, tpu.core_type = #tpu.core_type<sc_vector_subcore>, window_params = [{transform_indices = #map}, {transform_indices = #map1}, {transform_indices = #map}, {transform_indices = #map}, {transform_indices = #map}]} {
    %mul3A = arith.constant 16 : i32
    %mul3A_0 = arith.muli %arg0, %mul3A : i32
    %add3A = arith.addi %mul3A_0, %arg1 : i32
    %mul3A_1 = arith.constant 10000 : i32
    %mul3A_2 = arith.muli %add3A, %mul3A_1 : i32
    %jit3A = arith.constant 128 : i32
    %div3A = arith.divsi %mul3A_2, %jit3A : i32
    %sign3A = arith.constant 0 : i32
    %sign3A_3 = arith.cmpi sgt, %mul3A_2, %sign3A : i32
    %sign3A_4 = arith.extui %sign3A_3 : i1 to i32
    %sign3A_5 = arith.constant 0 : i32
    %sign3A_6 = arith.cmpi slt, %mul3A_2, %sign3A_5 : i32
    %sign3A_7 = arith.extui %sign3A_6 : i1 to i32
    %sign3A_8 = arith.subi %sign3A_4, %sign3A_7 : i32
    %sign3A_9 = arith.constant 0 : i32
    %sign3A_10 = arith.cmpi sgt, %jit3A, %sign3A_9 : i32
    %sign3A_11 = arith.extui %sign3A_10 : i1 to i32
    %sign3A_12 = arith.constant 0 : i32
    %sign3A_13 = arith.cmpi slt, %jit3A, %sign3A_12 : i32
    %sign3A_14 = arith.extui %sign3A_13 : i1 to i32
    %sign3A_15 = arith.subi %sign3A_11, %sign3A_14 : i32
    %ne3A = arith.cmpi ne, %sign3A_8, %sign3A_15 : i32
    %rem3A = arith.remsi %mul3A_2, %jit3A : i32
    %ne3A_16 = arith.constant 0 : i32
    %ne3A_17 = arith.cmpi ne, %rem3A, %ne3A_16 : i32
    %and3A = arith.andi %ne3A, %ne3A_17 : i1
    %sub3A = arith.constant 1 : i32
    %sub3A_18 = arith.subi %div3A, %sub3A : i32
    %select_n3A = arith.select %and3A, %sub3A_18, %div3A : i32
    %mul3A_19 = arith.constant 128 : i32
    %mul3A_20 = arith.muli %select_n3A, %mul3A_19 : i32
    %sub3A_21 = arith.subi %mul3A_2, %mul3A_20 : i32
    %dma_start3A = arith.constant 0 : i32
    %dma_start3A_22 = tpu.memref_slice %arg2[%dma_start3A, %mul3A_20] : memref<2x320000xi32, #tpu.memory_space<hbm>> -> memref<2x10112xi32, #tpu.memory_space<hbm>>
    %dma_start3A_23 = arith.constant 0 : i32
    %dma_start3A_24 = tpu.memref_slice %arg2[%dma_start3A_23, %mul3A_20] : memref<2x320000xi32, #tpu.memory_space<hbm>> -> memref<2x10112xi32, #tpu.memory_space<hbm>>
    tpu.enqueue_dma source(%dma_start3A_24 : memref<2x10112xi32, #tpu.memory_space<hbm>>) target(%arg7 : memref<2x10112xi32, #tpu.memory_space<vmem>>) target_semaphore(%arg12 : memref<!tpu.dma_semaphore, #tpu.memory_space<semaphore_mem>>)
    tpu.enqueue_dma source(%arg3 : memref<10240xf32, #tpu.memory_space<hbm>>) target(%arg8 : memref<10240xf32, #tpu.memory_space<vmem>>) target_semaphore(%arg13 : memref<!tpu.dma_semaphore, #tpu.memory_space<semaphore_mem>>)
    %broadcast_in_dim3A = arith.constant 0.000000e+00 : f32
    %broadcast_in_dim3A_25 = vector.broadcast %broadcast_in_dim3A : f32 to vector<16xf32>
    %scan3A = arith.constant 0 : i32
    %scan3A_26 = arith.constant 0 : i32
    %scan3A_27 = arith.constant 125 : i32
    %scan3A_28 = arith.addi %scan3A_26, %scan3A_27 : i32
    %scan3A_29 = arith.constant 1 : i32
    scf.for %scan3A_69 = %scan3A_26 to %scan3A_28 step %scan3A_29  : i32 {
      %mul3A_70 = arith.constant 5 : i32
      %mul3A_71 = arith.muli %scan3A_69, %mul3A_70 : i32
      %add3A_72 = arith.constant 0 : i32
      %add3A_73 = arith.addi %mul3A_71, %add3A_72 : i32
      %mul3A_74 = arith.constant 16 : i32
      %mul3A_75 = arith.muli %add3A_73, %mul3A_74 : i32
      %multiple_of3A = tpu.assume_multiple %mul3A_75, 16 : i32
      %swap3A_76 = arith.index_cast %multiple_of3A : i32 to index
      %swap3A_77 = tpu.vector_load %arg9[%swap3A_76] {strides = array<i32>} : memref<10000xf32, #tpu.memory_space<vmem>>, vector<16xf32>,
      tpu.vector_store %arg9[%swap3A_76], %broadcast_in_dim3A_25 {strides = array<i32>} : memref<10000xf32, #tpu.memory_space<vmem>>, vector<16xf32>,
      %swap3A_78 = arith.index_cast %multiple_of3A : i32 to index
      %swap3A_79 = tpu.vector_load %arg10[%swap3A_78] {strides = array<i32>} : memref<10000xf32, #tpu.memory_space<vmem>>, vector<16xf32>,
      tpu.vector_store %arg10[%swap3A_78], %broadcast_in_dim3A_25 {strides = array<i32>} : memref<10000xf32, #tpu.memory_space<vmem>>, vector<16xf32>,
      %mul3A_80 = arith.constant 5 : i32
      %mul3A_81 = arith.muli %scan3A_69, %mul3A_80 : i32
      %add3A_82 = arith.constant 1 : i32
      %add3A_83 = arith.addi %mul3A_81, %add3A_82 : i32
      %mul3A_84 = arith.constant 16 : i32
      %mul3A_85 = arith.muli %add3A_83, %mul3A_84 : i32
      %multiple_of3A_86 = tpu.assume_multiple %mul3A_85, 16 : i32
      %swap3A_87 = arith.index_cast %multiple_of3A_86 : i32 to index
      %swap3A_88 = tpu.vector_load %arg9[%swap3A_87] {strides = array<i32>} : memref<10000xf32, #tpu.memory_space<vmem>>, vector<16xf32>,
      tpu.vector_store %arg9[%swap3A_87], %broadcast_in_dim3A_25 {strides = array<i32>} : memref<10000xf32, #tpu.memory_space<vmem>>, vector<16xf32>,
      %swap3A_89 = arith.index_cast %multiple_of3A_86 : i32 to index
      %swap3A_90 = tpu.vector_load %arg10[%swap3A_89] {strides = array<i32>} : memref<10000xf32, #tpu.memory_space<vmem>>, vector<16xf32>,
      tpu.vector_store %arg10[%swap3A_89], %broadcast_in_dim3A_25 {strides = array<i32>} : memref<10000xf32, #tpu.memory_space<vmem>>, vector<16xf32>,
      %mul3A_91 = arith.constant 5 : i32
      %mul3A_92 = arith.muli %scan3A_69, %mul3A_91 : i32
      %add3A_93 = arith.constant 2 : i32
      %add3A_94 = arith.addi %mul3A_92, %add3A_93 : i32
      %mul3A_95 = arith.constant 16 : i32
      %mul3A_96 = arith.muli %add3A_94, %mul3A_95 : i32
      %multiple_of3A_97 = tpu.assume_multiple %mul3A_96, 16 : i32
      %swap3A_98 = arith.index_cast %multiple_of3A_97 : i32 to index
      %swap3A_99 = tpu.vector_load %arg9[%swap3A_98] {strides = array<i32>} : memref<10000xf32, #tpu.memory_space<vmem>>, vector<16xf32>,
      tpu.vector_store %arg9[%swap3A_98], %broadcast_in_dim3A_25 {strides = array<i32>} : memref<10000xf32, #tpu.memory_space<vmem>>, vector<16xf32>,
      %swap3A_100 = arith.index_cast %multiple_of3A_97 : i32 to index
      %swap3A_101 = tpu.vector_load %arg10[%swap3A_100] {strides = array<i32>} : memref<10000xf32, #tpu.memory_space<vmem>>, vector<16xf32>,
      tpu.vector_store %arg10[%swap3A_100], %broadcast_in_dim3A_25 {strides = array<i32>} : memref<10000xf32, #tpu.memory_space<vmem>>, vector<16xf32>,
      %mul3A_102 = arith.constant 5 : i32
      %mul3A_103 = arith.muli %scan3A_69, %mul3A_102 : i32
      %add3A_104 = arith.constant 3 : i32
      %add3A_105 = arith.addi %mul3A_103, %add3A_104 : i32
      %mul3A_106 = arith.constant 16 : i32
      %mul3A_107 = arith.muli %add3A_105, %mul3A_106 : i32
      %multiple_of3A_108 = tpu.assume_multiple %mul3A_107, 16 : i32
      %swap3A_109 = arith.index_cast %multiple_of3A_108 : i32 to index
      %swap3A_110 = tpu.vector_load %arg9[%swap3A_109] {strides = array<i32>} : memref<10000xf32, #tpu.memory_space<vmem>>, vector<16xf32>,
      tpu.vector_store %arg9[%swap3A_109], %broadcast_in_dim3A_25 {strides = array<i32>} : memref<10000xf32, #tpu.memory_space<vmem>>, vector<16xf32>,
      %swap3A_111 = arith.index_cast %multiple_of3A_108 : i32 to index
      %swap3A_112 = tpu.vector_load %arg10[%swap3A_111] {strides = array<i32>} : memref<10000xf32, #tpu.memory_space<vmem>>, vector<16xf32>,
      tpu.vector_store %arg10[%swap3A_111], %broadcast_in_dim3A_25 {strides = array<i32>} : memref<10000xf32, #tpu.memory_space<vmem>>, vector<16xf32>,
      %mul3A_113 = arith.constant 5 : i32
      %mul3A_114 = arith.muli %scan3A_69, %mul3A_113 : i32
      %add3A_115 = arith.constant 4 : i32
      %add3A_116 = arith.addi %mul3A_114, %add3A_115 : i32
      %mul3A_117 = arith.constant 16 : i32
      %mul3A_118 = arith.muli %add3A_116, %mul3A_117 : i32
      %multiple_of3A_119 = tpu.assume_multiple %mul3A_118, 16 : i32
      %swap3A_120 = arith.index_cast %multiple_of3A_119 : i32 to index
      %swap3A_121 = tpu.vector_load %arg9[%swap3A_120] {strides = array<i32>} : memref<10000xf32, #tpu.memory_space<vmem>>, vector<16xf32>,
      tpu.vector_store %arg9[%swap3A_120], %broadcast_in_dim3A_25 {strides = array<i32>} : memref<10000xf32, #tpu.memory_space<vmem>>, vector<16xf32>,
      %swap3A_122 = arith.index_cast %multiple_of3A_119 : i32 to index
      %swap3A_123 = tpu.vector_load %arg10[%swap3A_122] {strides = array<i32>} : memref<10000xf32, #tpu.memory_space<vmem>>, vector<16xf32>,
      tpu.vector_store %arg10[%swap3A_122], %broadcast_in_dim3A_25 {strides = array<i32>} : memref<10000xf32, #tpu.memory_space<vmem>>, vector<16xf32>,
    }
    %scan3A_30 = arith.constant 125 : i32
    %dma_wait3A = arith.constant 0 : i32
    %dma_wait3A_31 = tpu.memref_slice %arg2[%dma_wait3A, %mul3A_20] : memref<2x320000xi32, #tpu.memory_space<hbm>> -> memref<2x10112xi32, #tpu.memory_space<hbm>>
    %dma_wait3A_32 = arith.constant 0 : i32
    %dma_wait3A_33 = tpu.memref_slice %arg2[%dma_wait3A_32, %mul3A_20] : memref<2x320000xi32, #tpu.memory_space<hbm>> -> memref<2x10112xi32, #tpu.memory_space<hbm>>
    tpu.wait_dma2 semaphore(%arg12 : memref<!tpu.dma_semaphore, #tpu.memory_space<semaphore_mem>>) src(%dma_wait3A_33 : memref<2x10112xi32, #tpu.memory_space<hbm>>) dst(%arg7 : memref<2x10112xi32, #tpu.memory_space<vmem>>)
    tpu.wait_dma2 semaphore(%arg13 : memref<!tpu.dma_semaphore, #tpu.memory_space<semaphore_mem>>) src(%arg3 : memref<10240xf32, #tpu.memory_space<hbm>>) dst(%arg8 : memref<10240xf32, #tpu.memory_space<vmem>>)
    %broadcast_in_dim3A_34 = arith.constant 1.000000e+00 : f32
    %broadcast_in_dim3A_35 = vector.broadcast %broadcast_in_dim3A_34 : f32 to vector<16xf32>
    %broadcast_in_dim3A_36 = arith.constant 0 : i32
    %broadcast_in_dim3A_37 = vector.broadcast %broadcast_in_dim3A_36 : i32 to vector<16xi32>
    %scan3A_38 = arith.constant 0 : i32
    %scan3A_39 = arith.constant 125 : i32
    %scan3A_40 = arith.addi %scan3A_38, %scan3A_39 : i32
    %scan3A_41 = arith.constant 1 : i32
    %scan3A_42 = scf.for %scan3A_69 = %scan3A_38 to %scan3A_40 step %scan3A_41 iter_args(%scan3A_70 = %broadcast_in_dim3A_37) -> (vector<16xi32>)  : i32 {
      %mul3A_71 = arith.constant 5 : i32
      %mul3A_72 = arith.muli %scan3A_69, %mul3A_71 : i32
      %add3A_73 = arith.constant 0 : i32
      %add3A_74 = arith.addi %mul3A_72, %add3A_73 : i32
      %mul3A_75 = arith.constant 16 : i32
      %mul3A_76 = arith.muli %add3A_74, %mul3A_75 : i32
      %add3A_77 = arith.addi %sub3A_21, %mul3A_76 : i32
      %multiple_of3A = tpu.assume_multiple %add3A_77, 16 : i32
      %get3A = arith.constant 0 : i32
      %get3A_78 = arith.index_cast %get3A : i32 to index
      %get3A_79 = arith.index_cast %multiple_of3A : i32 to index
      %get3A_80 = tpu.vector_load %arg7[%get3A_78, %get3A_79] {strides = array<i32>} : memref<2x10112xi32, #tpu.memory_space<vmem>>, vector<16xi32>,
      %get3A_81 = arith.constant 1 : i32
      %get3A_82 = arith.index_cast %get3A_81 : i32 to index
      %get3A_83 = arith.index_cast %multiple_of3A : i32 to index
      %get3A_84 = tpu.vector_load %arg7[%get3A_82, %get3A_83] {strides = array<i32>} : memref<2x10112xi32, #tpu.memory_space<vmem>>, vector<16xi32>,
      %mul3A_85 = arith.constant 5 : i32
      %mul3A_86 = arith.muli %scan3A_69, %mul3A_85 : i32
      %add3A_87 = arith.constant 1 : i32
      %add3A_88 = arith.addi %mul3A_86, %add3A_87 : i32
      %mul3A_89 = arith.constant 16 : i32
      %mul3A_90 = arith.muli %add3A_88, %mul3A_89 : i32
      %add3A_91 = arith.addi %sub3A_21, %mul3A_90 : i32
      %multiple_of3A_92 = tpu.assume_multiple %add3A_91, 16 : i32
      %get3A_93 = arith.constant 0 : i32
      %get3A_94 = arith.index_cast %get3A_93 : i32 to index
      %get3A_95 = arith.index_cast %multiple_of3A_92 : i32 to index
      %get3A_96 = tpu.vector_load %arg7[%get3A_94, %get3A_95] {strides = array<i32>} : memref<2x10112xi32, #tpu.memory_space<vmem>>, vector<16xi32>,
      %get3A_97 = arith.constant 1 : i32
      %get3A_98 = arith.index_cast %get3A_97 : i32 to index
      %get3A_99 = arith.index_cast %multiple_of3A_92 : i32 to index
      %get3A_100 = tpu.vector_load %arg7[%get3A_98, %get3A_99] {strides = array<i32>} : memref<2x10112xi32, #tpu.memory_space<vmem>>, vector<16xi32>,
      %mul3A_101 = arith.constant 5 : i32
      %mul3A_102 = arith.muli %scan3A_69, %mul3A_101 : i32
      %add3A_103 = arith.constant 2 : i32
      %add3A_104 = arith.addi %mul3A_102, %add3A_103 : i32
      %mul3A_105 = arith.constant 16 : i32
      %mul3A_106 = arith.muli %add3A_104, %mul3A_105 : i32
      %add3A_107 = arith.addi %sub3A_21, %mul3A_106 : i32
      %multiple_of3A_108 = tpu.assume_multiple %add3A_107, 16 : i32
      %get3A_109 = arith.constant 0 : i32
      %get3A_110 = arith.index_cast %get3A_109 : i32 to index
      %get3A_111 = arith.index_cast %multiple_of3A_108 : i32 to index
      %get3A_112 = tpu.vector_load %arg7[%get3A_110, %get3A_111] {strides = array<i32>} : memref<2x10112xi32, #tpu.memory_space<vmem>>, vector<16xi32>,
      %get3A_113 = arith.constant 1 : i32
      %get3A_114 = arith.index_cast %get3A_113 : i32 to index
      %get3A_115 = arith.index_cast %multiple_of3A_108 : i32 to index
      %get3A_116 = tpu.vector_load %arg7[%get3A_114, %get3A_115] {strides = array<i32>} : memref<2x10112xi32, #tpu.memory_space<vmem>>, vector<16xi32>,
      %mul3A_117 = arith.constant 5 : i32
      %mul3A_118 = arith.muli %scan3A_69, %mul3A_117 : i32
      %add3A_119 = arith.constant 3 : i32
      %add3A_120 = arith.addi %mul3A_118, %add3A_119 : i32
      %mul3A_121 = arith.constant 16 : i32
      %mul3A_122 = arith.muli %add3A_120, %mul3A_121 : i32
      %add3A_123 = arith.addi %sub3A_21, %mul3A_122 : i32
      %multiple_of3A_124 = tpu.assume_multiple %add3A_123, 16 : i32
      %get3A_125 = arith.constant 0 : i32
      %get3A_126 = arith.index_cast %get3A_125 : i32 to index
      %get3A_127 = arith.index_cast %multiple_of3A_124 : i32 to index
      %get3A_128 = tpu.vector_load %arg7[%get3A_126, %get3A_127] {strides = array<i32>} : memref<2x10112xi32, #tpu.memory_space<vmem>>, vector<16xi32>,
      %get3A_129 = arith.constant 1 : i32
      %get3A_130 = arith.index_cast %get3A_129 : i32 to index
      %get3A_131 = arith.index_cast %multiple_of3A_124 : i32 to index
      %get3A_132 = tpu.vector_load %arg7[%get3A_130, %get3A_131] {strides = array<i32>} : memref<2x10112xi32, #tpu.memory_space<vmem>>, vector<16xi32>,
      %mul3A_133 = arith.constant 5 : i32
      %mul3A_134 = arith.muli %scan3A_69, %mul3A_133 : i32
      %add3A_135 = arith.constant 4 : i32
      %add3A_136 = arith.addi %mul3A_134, %add3A_135 : i32
      %mul3A_137 = arith.constant 16 : i32
      %mul3A_138 = arith.muli %add3A_136, %mul3A_137 : i32
      %add3A_139 = arith.addi %sub3A_21, %mul3A_138 : i32
      %multiple_of3A_140 = tpu.assume_multiple %add3A_139, 16 : i32
      %get3A_141 = arith.constant 0 : i32
      %get3A_142 = arith.index_cast %get3A_141 : i32 to index
      %get3A_143 = arith.index_cast %multiple_of3A_140 : i32 to index
      %get3A_144 = tpu.vector_load %arg7[%get3A_142, %get3A_143] {strides = array<i32>} : memref<2x10112xi32, #tpu.memory_space<vmem>>, vector<16xi32>,
      %get3A_145 = arith.constant 1 : i32
      %get3A_146 = arith.index_cast %get3A_145 : i32 to index
      %get3A_147 = arith.index_cast %multiple_of3A_140 : i32 to index
      %get3A_148 = tpu.vector_load %arg7[%get3A_146, %get3A_147] {strides = array<i32>} : memref<2x10112xi32, #tpu.memory_space<vmem>>, vector<16xi32>,
      %gather3A = tpu.vector_load_idx %arg8[%get3A_80] : memref<10240xf32, #tpu.memory_space<vmem>>[vector<16xi32>], vector<16xf32>,
      %gather3A_149 = tpu.vector_load_idx %arg8[%get3A_96] : memref<10240xf32, #tpu.memory_space<vmem>>[vector<16xi32>], vector<16xf32>,
      %gather3A_150 = tpu.vector_load_idx %arg8[%get3A_112] : memref<10240xf32, #tpu.memory_space<vmem>>[vector<16xi32>], vector<16xf32>,
      %gather3A_151 = tpu.vector_load_idx %arg8[%get3A_128] : memref<10240xf32, #tpu.memory_space<vmem>>[vector<16xi32>], vector<16xf32>,
      %gather3A_152 = tpu.vector_load_idx %arg8[%get3A_144] : memref<10240xf32, #tpu.memory_space<vmem>>[vector<16xi32>], vector<16xf32>,
      tpu.vector_store_idx %arg9[%get3A_84], %gather3A {add = true} : memref<10000xf32, #tpu.memory_space<vmem>>[vector<16xi32>], vector<16xf32>,
      tpu.vector_store_idx %arg9[%get3A_100], %gather3A_149 {add = true} : memref<10000xf32, #tpu.memory_space<vmem>>[vector<16xi32>], vector<16xf32>,
      tpu.vector_store_idx %arg9[%get3A_116], %gather3A_150 {add = true} : memref<10000xf32, #tpu.memory_space<vmem>>[vector<16xi32>], vector<16xf32>,
      tpu.vector_store_idx %arg9[%get3A_132], %gather3A_151 {add = true} : memref<10000xf32, #tpu.memory_space<vmem>>[vector<16xi32>], vector<16xf32>,
      tpu.vector_store_idx %arg9[%get3A_148], %gather3A_152 {add = true} : memref<10000xf32, #tpu.memory_space<vmem>>[vector<16xi32>], vector<16xf32>,
      tpu.vector_store_idx %arg10[%get3A_84], %broadcast_in_dim3A_35 {add = true} : memref<10000xf32, #tpu.memory_space<vmem>>[vector<16xi32>], vector<16xf32>,
      tpu.vector_store_idx %arg10[%get3A_100], %broadcast_in_dim3A_35 {add = true} : memref<10000xf32, #tpu.memory_space<vmem>>[vector<16xi32>], vector<16xf32>,
      tpu.vector_store_idx %arg10[%get3A_116], %broadcast_in_dim3A_35 {add = true} : memref<10000xf32, #tpu.memory_space<vmem>>[vector<16xi32>], vector<16xf32>,
      tpu.vector_store_idx %arg10[%get3A_132], %broadcast_in_dim3A_35 {add = true} : memref<10000xf32, #tpu.memory_space<vmem>>[vector<16xi32>], vector<16xf32>,
      tpu.vector_store_idx %arg10[%get3A_148], %broadcast_in_dim3A_35 {add = true} : memref<10000xf32, #tpu.memory_space<vmem>>[vector<16xi32>], vector<16xf32>,
      %max3A = arith.maxsi %scan3A_70, %get3A_80 : vector<16xi32>
      %max3A_153 = arith.maxsi %max3A, %get3A_96 : vector<16xi32>
      %max3A_154 = arith.maxsi %max3A_153, %get3A_112 : vector<16xi32>
      %max3A_155 = arith.maxsi %max3A_154, %get3A_128 : vector<16xi32>
      %max3A_156 = arith.maxsi %max3A_155, %get3A_144 : vector<16xi32>
      scf.yield %max3A_156 : vector<16xi32>
    }
    %scan3A_43 = arith.constant 125 : i32
    %swap3A = arith.constant 0 : index
    %swap3A_44 = tpu.vector_load %arg11[%swap3A] {strides = array<i32>} : memref<16xi32, #tpu.memory_space<vmem>>, vector<16xi32>,
    tpu.vector_store %arg11[%swap3A], %scan3A_42 {strides = array<i32>} : memref<16xi32, #tpu.memory_space<vmem>>, vector<16xi32>,
    %dma_start3A_45 = arith.constant 0 : i32
    %dma_start3A_46 = tpu.memref_slice %arg4[%add3A, %dma_start3A_45] : memref<32x10000xf32, #tpu.memory_space<hbm>> -> memref<1x10000xf32, #tpu.memory_space<hbm>>
    %dma_start3A_47 = tpu.memref_squeeze %dma_start3A_46 : memref<1x10000xf32, #tpu.memory_space<hbm>> -> memref<10000xf32, #tpu.memory_space<hbm>>
    %dma_start3A_48 = arith.constant 0 : i32
    %dma_start3A_49 = tpu.memref_slice %arg4[%add3A, %dma_start3A_48] : memref<32x10000xf32, #tpu.memory_space<hbm>> -> memref<1x10000xf32, #tpu.memory_space<hbm>>
    %dma_start3A_50 = tpu.memref_squeeze %dma_start3A_49 : memref<1x10000xf32, #tpu.memory_space<hbm>> -> memref<10000xf32, #tpu.memory_space<hbm>>
    tpu.enqueue_dma source(%arg9 : memref<10000xf32, #tpu.memory_space<vmem>>) target(%dma_start3A_50 : memref<10000xf32, #tpu.memory_space<hbm>>) target_semaphore(%arg12 : memref<!tpu.dma_semaphore, #tpu.memory_space<semaphore_mem>>)
    %dma_start3A_51 = arith.constant 0 : i32
    %dma_start3A_52 = tpu.memref_slice %arg5[%add3A, %dma_start3A_51] : memref<32x10000xf32, #tpu.memory_space<hbm>> -> memref<1x10000xf32, #tpu.memory_space<hbm>>
    %dma_start3A_53 = tpu.memref_squeeze %dma_start3A_52 : memref<1x10000xf32, #tpu.memory_space<hbm>> -> memref<10000xf32, #tpu.memory_space<hbm>>
    %dma_start3A_54 = arith.constant 0 : i32
    %dma_start3A_55 = tpu.memref_slice %arg5[%add3A, %dma_start3A_54] : memref<32x10000xf32, #tpu.memory_space<hbm>> -> memref<1x10000xf32, #tpu.memory_space<hbm>>
    %dma_start3A_56 = tpu.memref_squeeze %dma_start3A_55 : memref<1x10000xf32, #tpu.memory_space<hbm>> -> memref<10000xf32, #tpu.memory_space<hbm>>
    tpu.enqueue_dma source(%arg10 : memref<10000xf32, #tpu.memory_space<vmem>>) target(%dma_start3A_56 : memref<10000xf32, #tpu.memory_space<hbm>>) target_semaphore(%arg13 : memref<!tpu.dma_semaphore, #tpu.memory_space<semaphore_mem>>)
    %dma_wait3A_57 = arith.constant 0 : i32
    %dma_wait3A_58 = tpu.memref_slice %arg4[%add3A, %dma_wait3A_57] : memref<32x10000xf32, #tpu.memory_space<hbm>> -> memref<1x10000xf32, #tpu.memory_space<hbm>>
    %dma_wait3A_59 = tpu.memref_squeeze %dma_wait3A_58 : memref<1x10000xf32, #tpu.memory_space<hbm>> -> memref<10000xf32, #tpu.memory_space<hbm>>
    %dma_wait3A_60 = arith.constant 0 : i32
    %dma_wait3A_61 = tpu.memref_slice %arg4[%add3A, %dma_wait3A_60] : memref<32x10000xf32, #tpu.memory_space<hbm>> -> memref<1x10000xf32, #tpu.memory_space<hbm>>
    %dma_wait3A_62 = tpu.memref_squeeze %dma_wait3A_61 : memref<1x10000xf32, #tpu.memory_space<hbm>> -> memref<10000xf32, #tpu.memory_space<hbm>>
    tpu.wait_dma2 semaphore(%arg12 : memref<!tpu.dma_semaphore, #tpu.memory_space<semaphore_mem>>) src(%arg9 : memref<10000xf32, #tpu.memory_space<vmem>>) dst(%dma_wait3A_62 : memref<10000xf32, #tpu.memory_space<hbm>>)
    %dma_wait3A_63 = arith.constant 0 : i32
    %dma_wait3A_64 = tpu.memref_slice %arg5[%add3A, %dma_wait3A_63] : memref<32x10000xf32, #tpu.memory_space<hbm>> -> memref<1x10000xf32, #tpu.memory_space<hbm>>
    %dma_wait3A_65 = tpu.memref_squeeze %dma_wait3A_64 : memref<1x10000xf32, #tpu.memory_space<hbm>> -> memref<10000xf32, #tpu.memory_space<hbm>>
    %dma_wait3A_66 = arith.constant 0 : i32
    %dma_wait3A_67 = tpu.memref_slice %arg5[%add3A, %dma_wait3A_66] : memref<32x10000xf32, #tpu.memory_space<hbm>> -> memref<1x10000xf32, #tpu.memory_space<hbm>>
    %dma_wait3A_68 = tpu.memref_squeeze %dma_wait3A_67 : memref<1x10000xf32, #tpu.memory_space<hbm>> -> memref<10000xf32, #tpu.memory_space<hbm>>
    tpu.wait_dma2 semaphore(%arg13 : memref<!tpu.dma_semaphore, #tpu.memory_space<semaphore_mem>>) src(%arg10 : memref<10000xf32, #tpu.memory_space<vmem>>) dst(%dma_wait3A_68 : memref<10000xf32, #tpu.memory_space<hbm>>)
    "tpu.region"() ({
      %run_scoped3A = tpu.sem_alloc : memref<!tpu.dma_semaphore, #tpu.memory_space<semaphore_mem>>
      %dma_start3A_69 = arith.constant 0 : i32
      %dma_start3A_70 = tpu.memref_slice %arg6[%add3A, %dma_start3A_69] : memref<32x16xi32, #tpu.memory_space<hbm>> -> memref<1x16xi32, #tpu.memory_space<hbm>>
      %dma_start3A_71 = tpu.memref_squeeze %dma_start3A_70 : memref<1x16xi32, #tpu.memory_space<hbm>> -> memref<16xi32, #tpu.memory_space<hbm>>
      %dma_start3A_72 = arith.constant 0 : i32
      %dma_start3A_73 = tpu.memref_slice %arg6[%add3A, %dma_start3A_72] : memref<32x16xi32, #tpu.memory_space<hbm>> -> memref<1x16xi32, #tpu.memory_space<hbm>>
      %dma_start3A_74 = tpu.memref_squeeze %dma_start3A_73 : memref<1x16xi32, #tpu.memory_space<hbm>> -> memref<16xi32, #tpu.memory_space<hbm>>
      tpu.enqueue_dma source(%arg11 : memref<16xi32, #tpu.memory_space<vmem>>) target(%dma_start3A_74 : memref<16xi32, #tpu.memory_space<hbm>>) target_semaphore(%run_scoped3A : memref<!tpu.dma_semaphore, #tpu.memory_space<semaphore_mem>>)
      %dma_wait3A_75 = arith.constant 0 : i32
      %dma_wait3A_76 = tpu.memref_slice %arg6[%add3A, %dma_wait3A_75] : memref<32x16xi32, #tpu.memory_space<hbm>> -> memref<1x16xi32, #tpu.memory_space<hbm>>
      %dma_wait3A_77 = tpu.memref_squeeze %dma_wait3A_76 : memref<1x16xi32, #tpu.memory_space<hbm>> -> memref<16xi32, #tpu.memory_space<hbm>>
      %dma_wait3A_78 = arith.constant 0 : i32
      %dma_wait3A_79 = tpu.memref_slice %arg6[%add3A, %dma_wait3A_78] : memref<32x16xi32, #tpu.memory_space<hbm>> -> memref<1x16xi32, #tpu.memory_space<hbm>>
      %dma_wait3A_80 = tpu.memref_squeeze %dma_wait3A_79 : memref<1x16xi32, #tpu.memory_space<hbm>> -> memref<16xi32, #tpu.memory_space<hbm>>
      tpu.wait_dma2 semaphore(%run_scoped3A : memref<!tpu.dma_semaphore, #tpu.memory_space<semaphore_mem>>) src(%arg11 : memref<16xi32, #tpu.memory_space<vmem>>) dst(%dma_wait3A_80 : memref<16xi32, #tpu.memory_space<hbm>>)
      tpu.yield
    }) : () -> ()
    return
  }
}

module attributes {stable_mosaic.version = 14 : i64} {
  func.func @_mv_body(%arg0: i32, %arg1: memref<128xf32, #tpu.memory_space<vmem>>, %arg2: memref<128xf32, #tpu.memory_space<vmem>>, %arg3: memref<2048x128xf32, #tpu.memory_space<vmem>>, %arg4: memref<2x2048xf32, #tpu.memory_space<vmem>>, %arg5: memref<2048xf32, #tpu.memory_space<vmem>>) attributes {dimension_semantics = [#tpu.dimension_semantics<arbitrary>], iteration_bounds = array<i64: 5>, scalar_prefetch = 0 : i64, scratch_operands = 0 : i64, tpu.core_type = #tpu.core_type<tc>, window_params = [{pipeline_mode = #tpu.pipeline_mode<synchronous>, transform_indices = @transform_0, window_bounds = array<i64: 128>}, {pipeline_mode = #tpu.pipeline_mode<synchronous>, transform_indices = @transform_1, window_bounds = array<i64: 128>}, {transform_indices = @transform_2, window_bounds = array<i64: 2048, 128>}, {transform_indices = @transform_3, window_bounds = array<i64: 2, 2048>}, {transform_indices = @transform_4, window_bounds = array<i64: 2048>}]} {
    %get3A = arith.constant 0 : index
    %get3A_0 = vector.load %arg1[%get3A] : memref<128xf32, #tpu.memory_space<vmem>>, vector<128xf32>
    %get3A_1 = arith.constant 0 : index
    %get3A_2 = vector.load %arg2[%get3A_1] : memref<128xf32, #tpu.memory_space<vmem>>, vector<128xf32>
    %stack3A = vector.shape_cast %get3A_0 : vector<128xf32> to vector<1x128xf32>
    %stack3A_3 = vector.shape_cast %get3A_2 : vector<128xf32> to vector<1x128xf32>
    %stack3A_4 = tpu.concatenate %stack3A, %stack3A_3 in 0 : vector<1x128xf32>, vector<1x128xf32> -> vector<2x128xf32>
    %get3A_5 = arith.constant 0 : index
    %get3A_6 = arith.constant 0 : index
    %get3A_7 = vector.load %arg3[%get3A_5, %get3A_6] : memref<2048x128xf32, #tpu.memory_space<vmem>>, vector<2048x128xf32>
    %dot_general3A = arith.constant dense<0.000000e+00> : vector<2x2048xf32>
    %dot_general3A_8 = tpu.matmul %stack3A_4, %get3A_7, %dot_general3A {dimension_numbers = #tpu.dot_dimension_numbers<[1], [1], [0], [0], [0, 0, 1, 0], [], []>, precision = #tpu.contract_precision<fp32>, transpose_lhs_hint = false} : vector<2x128xf32>, vector<2048x128xf32>, vector<2x2048xf32> -> vector<2x2048xf32>
    %swap3A = arith.constant 0 : index
    %swap3A_9 = arith.constant 0 : index
    %swap3A_10 = vector.load %arg4[%swap3A, %swap3A_9] : memref<2x2048xf32, #tpu.memory_space<vmem>>, vector<2x2048xf32>
    tpu.vector_store %arg4[%swap3A, %swap3A_9], %dot_general3A_8 {strides = array<i32>} : memref<2x2048xf32, #tpu.memory_space<vmem>>, vector<2x2048xf32>,
    %slice3A = vector.extract_strided_slice %dot_general3A_8 {offsets = [1, 0], sizes = [1, 2048], strides = [1, 1]} : vector<2x2048xf32> to vector<1x2048xf32>
    %squeeze3A = vector.shape_cast %slice3A : vector<1x2048xf32> to vector<2048xf32>
    %swap3A_11 = arith.constant 0 : index
    %swap3A_12 = vector.load %arg5[%swap3A_11] : memref<2048xf32, #tpu.memory_space<vmem>>, vector<2048xf32>
    tpu.vector_store %arg5[%swap3A_11], %squeeze3A {strides = array<i32>} : memref<2048xf32, #tpu.memory_space<vmem>>, vector<2048xf32>,
    return
  }
  func.func @transform_0(%arg0: i32) -> i32 {
    %c0_i32 = arith.constant 0 : i32
    %c0_i32_0 = arith.constant 0 : i32
    return %c0_i32 : i32
  }
  func.func @transform_1(%arg0: i32) -> i32 {
    %c0_i32 = arith.constant 0 : i32
    %c0_i32_0 = arith.constant 0 : i32
    return %c0_i32 : i32
  }
  func.func @transform_2(%arg0: i32) -> (i32, i32) {
    %c0_i32 = arith.constant 0 : i32
    %c0_i32_0 = arith.constant 0 : i32
    return %arg0, %c0_i32 : i32, i32
  }
  func.func @transform_3(%arg0: i32) -> (i32, i32) {
    %c0_i32 = arith.constant 0 : i32
    %c0_i32_0 = arith.constant 0 : i32
    return %c0_i32, %arg0 : i32, i32
  }
  func.func @transform_4(%arg0: i32) -> i32 {
    %c0_i32 = arith.constant 0 : i32
    return %arg0 : i32
  }
}

module attributes {stable_mosaic.version = 14 : i64} {
  func.func @_final_body(%arg0: memref<2x10240xf32, #tpu.memory_space<vmem>>, %arg1: memref<32x10000xf32, #tpu.memory_space<vmem>>, %arg2: memref<32x10000xf32, #tpu.memory_space<vmem>>, %arg3: memref<32x16xi32, #tpu.memory_space<vmem>>, %arg4: memref<2x10000xf32, #tpu.memory_space<vmem>>) attributes {dimension_semantics = [], scalar_prefetch = 0 : i64, scratch_operands = 0 : i64, tpu.core_type = #tpu.core_type<tc>} {
    %get3A = arith.constant 0 : index
    %get3A_0 = arith.constant 0 : index
    %get3A_1 = vector.load %arg1[%get3A, %get3A_0] : memref<32x10000xf32, #tpu.memory_space<vmem>>, vector<32x10000xf32>
    %reduce_sum3A = arith.constant dense<0.000000e+00> : vector<10000xf32>
    %reduce_sum3A_2 = vector.multi_reduction <add>, %get3A_1, %reduce_sum3A [0] : vector<32x10000xf32> to vector<10000xf32>
    %broadcast_in_dim3A = vector.shape_cast %reduce_sum3A_2 : vector<10000xf32> to vector<1x10000xf32>
    %get3A_3 = arith.constant 0 : index
    %get3A_4 = arith.constant 0 : index
    %get3A_5 = vector.load %arg2[%get3A_3, %get3A_4] : memref<32x10000xf32, #tpu.memory_space<vmem>>, vector<32x10000xf32>
    %reduce_sum3A_6 = arith.constant dense<0.000000e+00> : vector<10000xf32>
    %reduce_sum3A_7 = vector.multi_reduction <add>, %get3A_5, %reduce_sum3A_6 [0] : vector<32x10000xf32> to vector<10000xf32>
    %broadcast_in_dim3A_8 = vector.shape_cast %reduce_sum3A_7 : vector<10000xf32> to vector<1x10000xf32>
    %get3A_9 = arith.constant 0 : index
    %get3A_10 = arith.constant 0 : index
    %get3A_11 = vector.load %arg3[%get3A_9, %get3A_10] : memref<32x16xi32, #tpu.memory_space<vmem>>, vector<32x16xi32>
    %reduce_max3A = vector.shape_cast %get3A_11 : vector<32x16xi32> to vector<1x32x16xi32>
    %reduce_max3A_12 = arith.constant dense<-2147483648> : vector<1xi32>
    %reduce_max3A_13 = vector.multi_reduction <maxsi>, %reduce_max3A, %reduce_max3A_12 [1, 2] : vector<1x32x16xi32> to vector<1xi32>
    %reduce_max3A_14 = vector.shape_cast %reduce_max3A_13 : vector<1xi32> to vector<1x1x1xi32>
    %reduce_max3A_15 = vector.extract %reduce_max3A_14[0, 0, 0] : i32 from vector<1x1x1xi32>
    %convert_element_type3A = arith.sitofp %reduce_max3A_15 : i32 to f32
    %get3A_16 = arith.constant 0 : index
    %get3A_17 = arith.constant 0 : index
    %get3A_18 = vector.load %arg0[%get3A_16, %get3A_17] : memref<2x10240xf32, #tpu.memory_space<vmem>>, vector<1x10000xf32>
    %add3A = arith.constant 1.000000e+00 : f32
    %add3A_19 = arith.addf %convert_element_type3A, %add3A : f32
    %mul3A = arith.constant 5.000000e-01 : f32
    %mul3A_20 = arith.mulf %mul3A, %add3A_19 : f32
    %div3A = arith.constant 3.200000e+05 : f32
    %div3A_21 = arith.divf %mul3A_20, %div3A : f32
    %mul3A_22 = vector.broadcast %div3A_21 : f32 to vector<1x10000xf32>
    %mul3A_23 = arith.mulf %mul3A_22, %broadcast_in_dim3A_8 : vector<1x10000xf32>
    %add3A_24 = arith.addf %get3A_18, %mul3A_23 : vector<1x10000xf32>
    %max3A = arith.constant 1.000000e+00 : f32
    %max3A_25 = vector.broadcast %max3A : f32 to vector<1x10000xf32>
    %max3A_26 = arith.maximumf %broadcast_in_dim3A_8, %max3A_25 : vector<1x10000xf32>
    %div3A_27 = arith.divf %broadcast_in_dim3A, %max3A_26 : vector<1x10000xf32>
    %add3A_28 = arith.addf %add3A_24, %div3A_27 : vector<1x10000xf32>
    %reduce_sum3A_29 = vector.shape_cast %add3A_28 : vector<1x10000xf32> to vector<1x1x10000xf32>
    %reduce_sum3A_30 = arith.constant dense<0.000000e+00> : vector<1xf32>
    %reduce_sum3A_31 = vector.multi_reduction <add>, %reduce_sum3A_29, %reduce_sum3A_30 [1, 2] : vector<1x1x10000xf32> to vector<1xf32>
    %reduce_sum3A_32 = vector.shape_cast %reduce_sum3A_31 : vector<1xf32> to vector<1x1x1xf32>
    %reduce_sum3A_33 = vector.extract %reduce_sum3A_32[0, 0, 0] : f32 from vector<1x1x1xf32>
    %div3A_34 = arith.constant 1.000000e+04 : f32
    %div3A_35 = arith.divf %reduce_sum3A_33, %div3A_34 : f32
    %sub3A = vector.broadcast %div3A_35 : f32 to vector<1x10000xf32>
    %sub3A_36 = arith.subf %add3A_28, %sub3A : vector<1x10000xf32>
    %mul3A_37 = arith.mulf %sub3A_36, %sub3A_36 : vector<1x10000xf32>
    %reduce_sum3A_38 = vector.shape_cast %mul3A_37 : vector<1x10000xf32> to vector<1x1x10000xf32>
    %reduce_sum3A_39 = arith.constant dense<0.000000e+00> : vector<1xf32>
    %reduce_sum3A_40 = vector.multi_reduction <add>, %reduce_sum3A_38, %reduce_sum3A_39 [1, 2] : vector<1x1x10000xf32> to vector<1xf32>
    %reduce_sum3A_41 = vector.shape_cast %reduce_sum3A_40 : vector<1xf32> to vector<1x1x1xf32>
    %reduce_sum3A_42 = vector.extract %reduce_sum3A_41[0, 0, 0] : f32 from vector<1x1x1xf32>
    %div3A_43 = arith.constant 9.999000e+03 : f32
    %div3A_44 = arith.divf %reduce_sum3A_42, %div3A_43 : f32
    %rsqrt3A = math.rsqrt %div3A_44 : f32
    %mul3A_45 = vector.broadcast %rsqrt3A : f32 to vector<1x10000xf32>
    %mul3A_46 = arith.mulf %mul3A_45, %sub3A_36 : vector<1x10000xf32>
    %logistic3A = arith.negf %mul3A_46 : vector<1x10000xf32>
    %logistic3A_47 = math.exp %logistic3A : vector<1x10000xf32>
    %logistic3A_48 = arith.constant 1.000000e+00 : f32
    %logistic3A_49 = vector.broadcast %logistic3A_48 : f32 to vector<1x10000xf32>
    %logistic3A_50 = arith.addf %logistic3A_49, %logistic3A_47 : vector<1x10000xf32>
    %logistic3A_51 = arith.divf %logistic3A_49, %logistic3A_50 : vector<1x10000xf32>
    %sub3A_52 = arith.constant 1.000000e+00 : f32
    %sub3A_53 = vector.broadcast %sub3A_52 : f32 to vector<1x10000xf32>
    %sub3A_54 = arith.subf %sub3A_53, %logistic3A_51 : vector<1x10000xf32>
    %concatenate3A = tpu.concatenate %sub3A_54, %logistic3A_51 in 0 : vector<1x10000xf32>, vector<1x10000xf32> -> vector<2x10000xf32>
    %swap3A = arith.constant 0 : index
    %swap3A_55 = arith.constant 0 : index
    %swap3A_56 = vector.load %arg4[%swap3A, %swap3A_55] : memref<2x10000xf32, #tpu.memory_space<vmem>>, vector<2x10000xf32>
    tpu.vector_store %arg4[%swap3A, %swap3A_55], %concatenate3A {strides = array<i32>} : memref<2x10000xf32, #tpu.memory_space<vmem>>, vector<2x10000xf32>,
    return
  }
}

</mosaic_0001>

<sc_bundles>
// kernel: kernel.5.cloned.1.call-start
scs
__scs_entry_jumppad:
0x0: {  	(pc) =	sbr.rel $0x88, $3  }
0x1: {  	(tag) =	ssettag $0x0;
	lr =	simm.s32 $0x1  }
0x2: {  	[smem:$0x3F9D] =	sst lr;
	_ =	strace $0xD0000000  }
0x3: {  	_ = 	snop  }
0x4: {  	_ = 	snop  }
0x5: {  	_ = 	snop  }
0x6: {  	_ = 	snop  }
0x7: {  	_ = 	snop  }
__scs_overlays_trampoline_lowered:
0x8: {  	[smem:$0x3FAC] =	sst s0  }
0x9: {  	[smem:$0x3FAD] =	sst s1  }
0xa: {  	[smem:$0x3FAE] =	sst s2  }
0xb: {  	[smem:$0x3FAF] =	sst s3  }
0xc: {  	[smem:$0x3FB0] =	sst s4  }
0xd: {  	[smem:$0x3FB1] =	sst s5  }
0xe: {  	[smem:$0x3FB2] =	sst s6  }
0xf: {  	[smem:$0x3FB3] =	sst s7  }
0x10: {  	[smem:$0x3FB4] =	sst s8  }
0x11: {  	[smem:$0x3FB5] =	sst s9;
	s0 =	simm.s32 @!p0 $0x0  }
0x12: {  	s1 =	sld [smem:$0x3F9B];
	s0 =	simm.s32 @p0 $0x1  }
0x13: {  	[smem:$0x3FB6] =	sst s0;
	s0 =	simm.s32 @!p1 $0x0  }
0x14: {  	s2 =	sld [smem:$0x3F9A];
	s0 =	simm.s32 @p1 $0x1  }
0x15: {  	[smem:$0x3FB7] =	sst s0;
	s0 =	simm.s32 @!p2 $0x0  }
0x16: {  	s3 =	sld [smem:$0x3FDB];
	s0 =	simm.s32 @p2 $0x1  }
0x17: {  	s4 =	simm.s32 $0x1BF5;
	[smem:$0x3FB9] =	sst s0  }
0x18: {  	s0 =	sld [smem:$0x3F9C];
	_ =	swait.ge [sflag:s4], $0x0  }
0x19: {  	s7 =	sld [smem:$0x3F9D]  }
0x1a: {  	s8 =	sadd.s32 $0xFFFFE003, lr  }
0x1b: {  	s9 =	sadd.s32 $0xFFFFFEF7, lr;
	s5 =	simm.s32 $0xFFFFFFFF;
	p2 =	slt.u32 s8, $0xFFFFF086  }
0x1c: {  	p1 =	slt.u32 s9, $0xF7A;
	s5 =	simm.s32 @!p2 $0x0  }
0x1d: {  	s5 =	simm.s32 @p1 $0x1;
	p0 =	seq.s32 s7, s2  }
0x1e: {  	s7 =	smul.u32 @!p0 $0xF7A, s2;
	p2 =	seq.s32 @!p0 s5, $0x0  }
0x1f: {  	s9 =	smul.u32 $0xF7A, s1;
	s8 =	simm.s32 @!p0 $0x1BF5;
	p2 =	por !p2, p0  }
0x20: {  	[sflag:s8] =	ssyncset.s32 @!p0 $0xFFFFF086;
	s6 =	sadd.s32 @!p0 s3, s7;
	s7 =	simm.s32 @!p0 $0x108  }
0x21: {  	s3 =	sadd.s32 s3, s9;
	s6 =	sadd.s32 @!p0 $0x88, s6;
	s7 =	simm.s32 @p2 $0x1082  }
0x22: {  	[simem:s7], [sflag:s8] =	dma.local @!p0 [hbm:s6], $0xF7A  }
0x23: {  	s9 =	sor.u32 $0xD0000000, s2;
	s6 =	simm.s32 $0x108;
	_ =	swait.ge @!p0 [sflag:s8], $0x0  }
0x24: {  	s3 =	sadd.s32 $0x88, s3;
	s6 =	simm.s32 @!p1 $0x1082;
	[sflag:s4] =	ssyncset.s32 $0xFFFFF086  }
0x25: {  	[simem:s6], [sflag:s4] =	dma.local [hbm:s3], $0xF7A  }
0x26: {  	[smem:$0x3F9D] =	sst s1;
	(tag) =	ssettag s2;
	_ =	strace s9  }
0x27: {  	s1 =	sld [smem:$0x3FAD]  }
0x28: {  	s2 =	sld [smem:$0x3FAE]  }
0x29: {  	s4 =	sld [smem:$0x3FB0]  }
0x2a: {  	p0 =	seq.s32 s5, $0x0;
	s5 =	sld [smem:$0x3FB1]  }
0x2b: {  	s6 =	sld [smem:$0x3FB2]  }
0x2c: {  	s7 =	sld [smem:$0x3FB3]  }
0x2d: {  	s3 =	simm.s32 $0x108;
	s8 =	sld [smem:$0x3FB4]  }
0x2e: {  	s3 =	simm.s32 @!p0 $0x1082;
	s9 =	sld [smem:$0x3FB5]  }
0x2f: {  	lr =	sadd.s32 s0, s3;
	s0 =	sld [smem:$0x3FAC]  }
0x30: {  	s3 =	sld [smem:$0x3FAF]  }
0x31: {  	[smem:$0x3FB8] =	sst s10  }
0x32: {  	s10 =	sld [smem:$0x3FB6];
	_ =	sdelay $0x3  }
0x33: {  	p0 =	seq.s32 s10, $0x1;
	s10 =	sld [smem:$0x3FB8];
	_ =	sdelay $0x3  }
0x34: {  	[smem:$0x3FB8] =	sst s10  }
0x35: {  	s10 =	sld [smem:$0x3FB7];
	_ =	sdelay $0x3  }
0x36: {  	p1 =	seq.s32 s10, $0x1;
	s10 =	sld [smem:$0x3FB8];
	_ =	sdelay $0x3  }
0x37: {  	[smem:$0x3FB8] =	sst s10  }
0x38: {  	s10 =	sld [smem:$0x3FB9]  }
0x39: {  	_ = 	snop;
	(pc) =	sbr.ind lr, $3  }
0x3a: {  	_ = 	snop  }
0x3b: {  	_ = 	snop  }
0x3c: {  	p2 =	seq.s32 s10, $0x1;
	s10 =	sld [smem:$0x3FB8]  }
0x3d: {  	_ =	shalt  }
0x3e: {  	_ =	shalt  }
0x3f: {  	_ =	shalt  }
0x40: {  	_ =	shalt  }
0x41: {  	_ =	shalt  }
0x42: {  	_ =	shalt  }
0x43: {  	_ =	shalt  }
0x44: {  	_ =	shalt  }
0x45: {  	_ =	shalt  }
0x46: {  	_ =	shalt  }
0x47: {  	_ =	shalt  }
0x48: {  	_ =	shalt  }
0x49: {  	_ =	shalt  }
0x4a: {  	_ =	shalt  }
0x4b: {  	_ =	shalt  }
0x4c: {  	_ =	shalt  }
0x4d: {  	_ =	shalt  }
0x4e: {  	_ =	shalt  }
0x4f: {  	_ =	shalt  }
0x50: {  	_ =	shalt  }
0x51: {  	_ =	shalt  }
0x52: {  	_ =	shalt  }
0x53: {  	_ =	shalt  }
0x54: {  	_ =	shalt  }
0x55: {  	_ =	shalt  }
0x56: {  	_ =	shalt  }
0x57: {  	_ =	shalt  }
0x58: {  	_ =	shalt  }
0x59: {  	_ =	shalt  }
0x5a: {  	_ =	shalt  }
0x5b: {  	_ =	shalt  }
0x5c: {  	_ =	shalt  }
0x5d: {  	_ =	shalt  }
0x5e: {  	_ =	shalt  }
0x5f: {  	_ =	shalt  }
0x60: {  	_ =	shalt  }
0x61: {  	_ =	shalt  }
0x62: {  	_ =	shalt  }
0x63: {  	_ =	shalt  }
0x64: {  	_ =	shalt  }
0x65: {  	_ =	shalt  }
0x66: {  	_ =	shalt  }
0x67: {  	_ =	shalt  }
0x68: {  	_ =	shalt  }
0x69: {  	_ =	shalt  }
0x6a: {  	_ =	shalt  }
0x6b: {  	_ =	shalt  }
0x6c: {  	_ =	shalt  }
0x6d: {  	_ =	shalt  }
0x6e: {  	_ =	shalt  }
0x6f: {  	_ =	shalt  }
0x70: {  	_ =	shalt  }
0x71: {  	_ =	shalt  }
0x72: {  	_ =	shalt  }
0x73: {  	_ =	shalt  }
0x74: {  	_ =	shalt  }
0x75: {  	_ =	shalt  }
0x76: {  	_ =	shalt  }
0x77: {  	_ =	shalt  }
0x78: {  	_ =	shalt  }
0x79: {  	_ =	shalt  }
0x7a: {  	_ =	shalt  }
0x7b: {  	_ =	shalt  }
0x7c: {  	_ =	shalt  }
0x7d: {  	_ =	shalt  }
0x7e: {  	_ =	shalt  }
0x7f: {  	_ =	shalt  }
0x80: {  	_ =	shalt  }
0x81: {  	_ =	shalt  }
0x82: {  	_ =	shalt  }
0x83: {  	_ =	shalt  }
0x84: {  	_ =	shalt  }
0x85: {  	_ =	shalt  }
0x86: {  	_ =	shalt  }
0x87: {  	_ =	shalt  }
.Lfunc_end0:
.L_simem_size_0:
called_computation_lowered:
.L_overlay_start_0:
0x88: {  	s2 =	sld [smem:$0x3FD9]  }
0x89: {  	s3 =	sld [smem:$0x3FFE];
	_ =	sdelay $0x1  }
0x8a: {  	s1 =	srdreg.scid  }
0x8b: {  	s0 =	sand.u32 $0x1, s1  }
0x8c: {  	s17 =	sshll.u32 s0, $0xA;
	s2 =	sadd.s32 s3, s2  }
0x8d: {  	s2 =	sadd.s32 s2, s17  }
0x8e: {  	[smem:$0x3FC4] =	sst s2  }
0x8f: {  	_ = 	snop  }
0x90: {  	s2 =	sld [smem:$0x3FC8]  }
0x91: {  	s18 =	sld [smem:$0x3FD0];
	(tm) =	ssettm $0x1  }
0x92: {  	s4 =	sld [smem:$0x3FFB];
	_ =	sdelay $0x3  }
0x93: {  	_ =	strace s4  }
0x94: {  	s4 =	sld [smem:$0x3FFC];
	_ =	sdelay $0x3  }
0x95: {  	_ =	strace s4  }
0x96: {  	s4 =	sld [smem:$0x3FFD];
	_ =	sdelay $0x3  }
0x97: {  	_ =	strace s4  }
0x98: {  	_ =	strace $0x8FFFFFFF  }
0x99: {  	s19 =	sld [smem:$0x3FDB];
	_ =	sdelay $0x1  }
0x9a: {  	s5 =	simm.s32 $_scs_section_size  }
0x9b: {  	s6 =	simm.s32 $_size__tile_overlayer_lowered;
	s7 =	simm.s32 $_tile_overlayer_lowered  }
0x9c: {  	s22 =	simm.s32 $0x1BFF;
	s21 =	sshll.u32 s7, $0x1;
	s4 =	sadd.s32 s5, s19  }
0x9d: {  	s8 =	simm.s32 $0x0;
	s20 =	sshll.u32 s6, $0x1;
	s6 =	sadd.s32 s21, s4  }
0x9e: {  	[timem:s8], [sflag:s22] =	dma.local [hbm:s6], s20  }
0x9f: {  	_ =	swait.ge [sflag:s22], s20  }
0xa0: {  	s5 =	ssub.s32 $0x0, s20;
	[sflag:s22] =	ssyncset.done $0x0  }
0xa1: {  	[sflag:s22] =	ssyncadd.s32 s5;
	_ =	sdelay $0x1  }
0xa2: {  	s23 =	simm.s32 $0x1B8B  }
0xa3: {  	_ =	swait.ge [sflag:s23], $0x1  }
0xa4: {  	[sflag:s23] =	ssyncset.done $0x0  }
0xa5: {  	s25 =	simm.s32 $0x1B8E;
	s24 =	sld [smem:$0x3FFE];
	[sflag:s23] =	ssyncadd.s32 $0xFFFFFFFF  }
0xa6: {  	s26 =	simm.s32 $execute0_lowered;
	[smem:$0x3FD2] =	sst s25  }
0xa7: {  	s6 =	sshll.u32 s26, $0x1;
	_ =	strace $0x80000046;
	[dreg:$0x1] =	wrdreg $0xFFFFFFFF  }
0xa8: {  	s28 =	simm.s32 $_size_execute0_lowered;
	s4 =	sadd.s32 s4, s6;
	[dreg:$0x0] =	wrdreg $0x0  }
0xa9: {  	s6 =	sshll.u32 s28, $0x1;
	[dreg:$0x2] =	wrdreg s4  }
0xaa: {  	[dreg:$0x3] =	wrdreg s6  }
0xab: {  	[dreg:$0x4] =	wrdreg $0xC0  }
0xac: {  	_ =	task [dreg:s8], $0x5FFFF  }
0xad: {  	[dreg:$0x1] =	wrdreg $0xFFFFFFFF  }
0xae: {  	[dreg:$0x0] =	wrdreg $0x60  }
0xaf: {  	[dreg:$0x2] =	wrdreg s2  }
0xb0: {  	[dreg:$0x3] =	wrdreg s18  }
0xb1: {  	[dreg:$0x4] =	wrdreg s24  }
0xb2: {  	[dreg:$0x5] =	wrdreg $0x9  }
0xb3: {  	_ =	task.clear_ibuf [dreg:s8], $0x6FFFF;
	_ =	strace $0x90000046  }
0xb4: {  	s29 =	simm.s32 $0x9;
	_ =	strace $0x80000048  }
0xb5: {  	_ =	swait.ge [sflag:s29], $0x1  }
0xb6: {  	[sflag:s29] =	ssyncadd.s32 $0xFFFFFFFF  }
0xb7: {  	_ =	strace $0x90000048  }
0xb8: {  	_ =	sfence  }
0xb9: {  	s30 =	sld [smem:$0x0];
	_ =	sdelay $0x2  }
0xba: {  	s31 =	sshll.u32 s1, $0xD;
	s1 =	sshrl.u32 s1, $0x2  }
0xbb: {  	s3 =	sand.u32 $0x4000, s31;
	s1 =	sadd.s32 s1, s30  }
0xbc: {  	s0 =	sor.u32 s3, s0;
	s1 =	sshll.u32 s1, $0x11  }
0xbd: {  	s0 =	sor.u32 s1, s0  }
0xbe: {  	s0 =	sadd.s32 $0x8F2B, s0  }
0xbf: {  	[sflag:s0] =	ssyncadd.remote.s32 $0x1  }
0xc0: {  	_ =	sfence.sel $0xFFFF  }
0xc1: {  	[dreg:$0x0] =	wrdreg $0xFFFFFFFF;
	(pc) =	sbr.abs _section_cstart, $3  }
0xc2: {  	[dreg:$0x1] =	wrdreg $0xFFFFFFFF  }
0xc3: {  	_ =	task.clear_ibuf [dreg:s8], $0x2FFFF;
	_ =	strace $0x9FFFFFFF  }
0xc4: {  	(tm) =	ssettm $0x7FFFFFFF  }
0xc5: {  	_ =	shalt  }
tec
execute0_lowered:
.L_overlay_start_1:
0x0: {  	(tag) =	ssettag $0x1  }
0x1: {  	s5 =	rddreg [dreg:$0x0]  }
0x2: {  	s2 =	rddreg [dreg:$0x1]  }
0x3: {  	s0 =	srdreg.scid;
	s8 =	rddreg [dreg:$0x2];
	s3 =	simm.s32 $0x0  }
0x4: {  	s11 =	simm.s32 $0x4F00;
	s12 =	simm.s32 $0x1;
	s13 =	simm.s32 $0x2  }
0x5: {  	s14 =	simm.s32 $0x7700;
	s15 =	simm.s32 $0x9E80;
	s16 =	simm.s32 $0x80  }
0x6: {  	s17 =	simm.s32 $0x400;
	s18 =	simm.s32 $0xC600;
	s19 =	simm.s32 $0x3  }
0x7: {  	s20 =	simm.s32 $0x0;
	s4 =	sand.u32 $0x1, s0;
	s0 =	stileid.u32  }
0x8: {  	[smem:$0x7FF] =	sst s3;
	s1 =	sshll.u32 s4, $0x4;
	s9 =	sshll.u32 s0, $0x7  }
0x9: {  	s4 =	ssub.s32 $0x2, s4;
	s29 =	smul.u32 $0x2710, s0;
	s6 =	sor.u32 s0, s1  }
0xa: {  	s1 =	rddreg [dreg:$0x3];
	s7 =	sshrl.u32 s6, $0x3;
	s6 =	smul.u32 $0x2710, s6  }
0xb: {  	s9 =	sand.u32 $0x380, s9;
	s10 =	smul.u32 $0x13C00, s7;
	s7 =	sshll.u32 s7, $0xA  }
0xc: {  	_ =	strace $0x80000047;
	s30 =	sshrl.u32 s4, $0x1;
	s7 =	sor.u32 s9, s7  }
0xd: {  	s6 =	sshrl.u32 s6, $0x2;
	s10 =	sor.u32 s9, s10;
	s7 =	sshrl.u32 s7, $0x3  }
0xe: {  	s6 =	sand.u32 $0x1FFE0, s6;
	s10 =	sshrl.u32 s10, $0x3;
	s7 =	sadd.s32 s7, s8  }
0xf: {  	s28 =	sadd.s32 s10, s8;
	s8 =	ssub.s32 s4, s30;
	s10 =	sshrl.u32 s29, $0x4  }
0x10: {  	s4 =	sadd.s32 s5, s6;
	s7 =	sadd.s32 $0x15400, s7;
	s31 =	sand.u32 $0x7, s10  }
0x11: {  	s5 =	sadd.s32 $0x1800, s28;
	s6 =	sadd.s32 $0xB600, s28;
	s10 =	sshll.u32 s31, $0x4  }
0x12: {  	v0 =	vimm.f32 $0.0e+00;
	v1 =	vimm.f32 $1.000000000e+00;
	s8 =	smax.u32 s8, $0x1;
	s9 =	sshll.u32 s31, $0x5;
	s10 =	sadd.s32 $0x40, s10  }
.LBB2_1:
0x13: {  	[tilespmem:s3], [sflag:$0x1] =	stream.linear.gather [hbm4b:s4+s3], $0x4F00, $0x38;
	[tilespmem:$0xC680] =	vst v63  }
0x14: {  	s21 =	simm.s32 $0x0;
	s22 =	simm.s32 $0x140  }
0x15: {  	[tilespmem:s11], [sflag:$0x2] =	stream.linear.gather [hbm4b:s2+s3], $0x2800, $0x38;
	[tilespmem:$0xC680] =	vst v63  }
.LBB2_2:
0x16: {  	p0 =	sne.s32 s22, $0x9B00;
	[tilespmem:s21+$0x9EC0] =	vst v0  }
0x17: {  	[tilespmem:s21+$0x7700] =	vst v0  }
0x18: {  	[tilespmem:s21+$0x9E80] =	vst v0  }
0x19: {  	[tilespmem:s21+$0x7710] =	vst v0  }
0x1a: {  	[tilespmem:s21+$0x9E90] =	vst v0  }
.Ltmp0:
0x1b: {  	[tilespmem:s21+$0x7720] =	vst v0;
	(pc) =	sbr.rel @p0 .LBB2_2-.Ltmp0, $4  }
0x1c: {  	[tilespmem:s21+$0x9EA0] =	vst v0  }
0x1d: {  	[tilespmem:s21+$0x7730] =	vst v0  }
0x1e: {  	[tilespmem:s21+$0x9EB0] =	vst v0  }
0x1f: {  	[tilespmem:s21+$0x7740] =	vst v0;
	s21 =	sshra.s32 s22, $0x2;
	s22 =	sadd.s32 $0x140, s22  }
0x20: {  	[tilespmem:s21+$0x9EC0] =	vst v0  }
0x21: {  	[tilespmem:s21+$0x7700] =	vst v0  }
0x22: {  	[tilespmem:s21+$0x9E80] =	vst v0  }
0x23: {  	[tilespmem:s21+$0x7710] =	vst v0  }
0x24: {  	[tilespmem:s21+$0x9E90] =	vst v0  }
0x25: {  	[tilespmem:s21+$0x7720] =	vst v0  }
0x26: {  	[tilespmem:s21+$0x9EA0] =	vst v0  }
0x27: {  	[tilespmem:s21+$0x7730] =	vst v0  }
0x28: {  	[tilespmem:s21+$0x9EB0] =	vst v0  }
0x29: {  	[tilespmem:s21+$0x7740] =	vst v0  }
0x2a: {  	_ =	swait.ge [sflag:s12], $0x4F00  }
0x2b: {  	s30 =	sadd.s32 $0xFFFFFFC0, s10;
	s22 =	sadd.s32 $0x0, s9;
	[sflag:s12] =	ssyncset.done $0x0  }
0x2c: {  	s24 =	sadd.s32 $0xFFFFFFD0, s10;
	s26 =	sadd.s32 $0xFFFFFFE0, s10;
	[sflag:s12] =	ssyncadd.s32 $0xFFFFB100  }
0x2d: {  	s29 =	sadd.s32 $0xFFFFFFF0, s10;
	s21 =	sand.u32 $0x70, s30;
	_ =	swait.ge [sflag:s13], $0x2800  }
0x2e: {  	s23 =	sand.u32 $0xFF00, s22;
	s25 =	sadd.s32 $0x60, s22;
	[sflag:s13] =	ssyncset.done $0x0  }
0x2f: {  	s28 =	sadd.s32 $0x40, s22;
	s21 =	sor.u32 s21, s23;
	[sflag:s13] =	ssyncadd.s32 $0xFFFFD800  }
0x30: {  	s31 =	sadd.s32 $0x20, s22;
	s26 =	sand.u32 $0x70, s26;
	s28 =	sand.u32 $0x1FF00, s28;
	v4 =	vld [tilespmem:s21+$0x0]  }
0x31: {  	s24 =	sand.u32 $0x70, s24;
	s23 =	sand.u32 $0x1FF00, s31;
	s28 =	sor.u32 s26, s28;
	v6 =	vld [tilespmem:s21+$0x80]  }
0x32: {  	s29 =	sand.u32 $0x70, s29;
	s25 =	sand.u32 $0x1FF00, s25;
	s23 =	sor.u32 s24, s23;
	v7 =	vld [tilespmem:s28+$0x0]  }
0x33: {  	s22 =	sadd.s32 $0x80, s22;
	s30 =	sor.u32 s29, s25;
	v8 =	vld [tilespmem:s23+$0x0]  }
0x34: {  	s22 =	sand.u32 $0x1FF00, s22;
	s31 =	sand.u32 $0x70, s10;
	v9 =	vld [tilespmem:s30+$0x0]  }
0x35: {  	s22 =	sor.u32 s31, s22;
	v2 =	vld [tilespmem:s30+$0x80]  }
0x36: {  	v10 =	vld [tilespmem:s22+$0x0]  }
0x37: {  	v3 =	vld [tilespmem:s22+$0x80]  }
0x38: {  	v11 =	vld [tilespmem:s23+$0x80]  }
0x39: {  	v5 =	vld [tilespmem:s28+$0x80]  }
0x3a: {  	v12 =	vld.idx.msk [tilespmem:v4+s11+$0x0], $0xffff  }
0x3b: {  	v13 =	vimm.s32 $0x0;
	v14 =	vld.idx.msk [tilespmem:v8+s11+$0x0], $0xffff  }
0x3c: {  	vm0 =	vgt.s32 v13, v4;
	v15 =	vld.idx.msk [tilespmem:v7+s11+$0x0], $0xffff  }
0x3d: {  	v4 =	vsel vm0, v13, v4;
	v63 =	vld.idx.msk [tilespmem:v9+s11+$0x0], $0xffff  }
0x3e: {  	v16 =	vld.idx.msk [tilespmem:v10+s11+$0x0], $0xffff;
	vm0 =	vgt.s32 v4, v8  }
0x3f: {  	v4 =	vsel vm0, v4, v8;
	[tilespmem:v6+s14+$0x0] =	vst.idx.add.f32.msk $0xffff, v12  }
0x40: {  	vm0 =	vgt.s32 v4, v7;
	[tilespmem:v11+s14+$0x0] =	vst.idx.add.f32.msk $0xffff, v14  }
0x41: {  	v4 =	vsel vm0, v4, v7;
	[tilespmem:v5+s14+$0x0] =	vst.idx.add.f32.msk $0xffff, v15  }
0x42: {  	vm0 =	vgt.s32 v4, v9;
	[tilespmem:v2+s14+$0x0] =	vst.idx.add.f32.msk $0xffff, v63  }
0x43: {  	v4 =	vsel vm0, v4, v9;
	[tilespmem:v3+s14+$0x0] =	vst.idx.add.f32.msk $0xffff, v16  }
0x44: {  	vm0 =	vgt.s32 v4, v10;
	[tilespmem:v6+s15+$0x0] =	vst.idx.add.f32.msk $0xffff, v1  }
0x45: {  	s21 =	simm.s32 $0xA0;
	s22 =	sadd.s32 $0x50, s10;
	v4 =	vsel vm0, v4, v10;
	[tilespmem:v11+s15+$0x0] =	vst.idx.add.f32.msk $0xffff, v1  }
.LBB2_4:
0x46: {  	s23 =	sadd.s32 $0xFFFFFFC0, s22;
	s24 =	sadd.s32 s21, s9;
	s25 =	sadd.s32 $0xFFFFFFD0, s22;
	[tilespmem:v5+s15+$0x0] =	vst.idx.add.f32.msk $0xffff, v1  }
0x47: {  	s23 =	sand.u32 $0x70, s23;
	s26 =	sand.u32 $0xFF00, s24;
	s28 =	sadd.s32 $0x60, s24;
	[tilespmem:v2+s15+$0x0] =	vst.idx.add.f32.msk $0xffff, v1  }
0x48: {  	s29 =	sadd.s32 $0xFFFFFFF0, s22;
	s23 =	sor.u32 s23, s26;
	s26 =	sadd.s32 $0x20, s24;
	[tilespmem:v3+s15+$0x0] =	vst.idx.add.f32.msk $0xffff, v1  }
0x49: {  	s30 =	sadd.s32 $0xFFFFFFE0, s22;
	s31 =	sadd.s32 $0x40, s24;
	v6 =	vld [tilespmem:s23+$0x0];
	s26 =	sand.u32 $0x1FF00, s26  }
0x4a: {  	s25 =	sand.u32 $0x70, s25;
	s30 =	sand.u32 $0x70, s30;
	s31 =	sand.u32 $0x1FF00, s31  }
0x4b: {  	s29 =	sand.u32 $0x70, s29;
	s28 =	sand.u32 $0x1FF00, s28;
	v7 =	vld [tilespmem:s23+$0x80];
	s23 =	sor.u32 s30, s31  }
0x4c: {  	s24 =	sadd.s32 $0x80, s24;
	s25 =	sor.u32 s25, s26;
	s26 =	sor.u32 s29, s28;
	v8 =	vld [tilespmem:s23+$0x0]  }
0x4d: {  	p0 =	sne.s32 s21, $0x4D80;
	s21 =	sadd.s32 $0xA0, s21;
	s24 =	sand.u32 $0x1FF00, s24;
	v9 =	vld [tilespmem:s25+$0x0]  }
0x4e: {  	s28 =	sand.u32 $0x70, s22;
	v10 =	vld [tilespmem:s26+$0x0]  }
0x4f: {  	s24 =	sor.u32 s28, s24;
	v2 =	vld [tilespmem:s26+$0x80]  }
0x50: {  	vm0 =	vgt.s32 v4, v6;
	v11 =	vld [tilespmem:s24+$0x0]  }
0x51: {  	v4 =	vsel vm0, v4, v6;
	v3 =	vld [tilespmem:s24+$0x80]  }
0x52: {  	v5 =	vld [tilespmem:s23+$0x80];
	vm0 =	vgt.s32 v4, v9  }
0x53: {  	v12 =	vld [tilespmem:s25+$0x80];
	v4 =	vsel vm0, v4, v9  }
0x54: {  	v6 =	vld.idx.msk [tilespmem:v6+s11+$0x0], $0xffff;
	vm0 =	vgt.s32 v4, v8  }
0x55: {  	v9 =	vld.idx.msk [tilespmem:v9+s11+$0x0], $0xffff;
	v4 =	vsel vm0, v4, v8  }
0x56: {  	v8 =	vld.idx.msk [tilespmem:v8+s11+$0x0], $0xffff;
	vm0 =	vgt.s32 v4, v10  }
0x57: {  	v13 =	vld.idx.msk [tilespmem:v10+s11+$0x0], $0xffff;
	v4 =	vsel vm0, v4, v10  }
0x58: {  	v10 =	vld.idx.msk [tilespmem:v11+s11+$0x0], $0xffff;
	vm0 =	vgt.s32 v4, v11  }
0x59: {  	v4 =	vsel vm0, v4, v11  }
0x5a: {  	[tilespmem:v7+s14+$0x0] =	vst.idx.add.f32.msk $0xffff, v6  }
0x5b: {  	[tilespmem:v12+s14+$0x0] =	vst.idx.add.f32.msk $0xffff, v9  }
.Ltmp1:
0x5c: {  	[tilespmem:v5+s14+$0x0] =	vst.idx.add.f32.msk $0xffff, v8;
	(pc) =	sbr.rel @p0 .LBB2_4-.Ltmp1, $4  }
0x5d: {  	[tilespmem:v2+s14+$0x0] =	vst.idx.add.f32.msk $0xffff, v13  }
0x5e: {  	[tilespmem:v3+s14+$0x0] =	vst.idx.add.f32.msk $0xffff, v10  }
0x5f: {  	[tilespmem:v7+s15+$0x0] =	vst.idx.add.f32.msk $0xffff, v1  }
0x60: {  	s22 =	sadd.s32 $0x50, s22;
	[tilespmem:v12+s15+$0x0] =	vst.idx.add.f32.msk $0xffff, v1  }
0x61: {  	_ =	sdelay $0x3  }
0x62: {  	[tilespmem:v5+s15+$0x0] =	vst.idx.add.f32.msk $0xffff, v1  }
0x63: {  	[tilespmem:v2+s15+$0x0] =	vst.idx.add.f32.msk $0xffff, v1  }
0x64: {  	[tilespmem:v3+s15+$0x0] =	vst.idx.add.f32.msk $0xffff, v1  }
0x65: {  	[tilespmem:$0xC600] =	vst v4  }
0x66: {  	[hbm4b:s5+s16] =	stream.strided.scatter [tilespmem:s14], [sflag:$0x1], $0x2780, s17, s16, $0x38;
	[tilespmem:$0xC680] =	vst v63  }
0x67: {  	_ = 	snop  }
0x68: {  	[hbm4b:s6+s16] =	stream.strided.scatter [tilespmem:s15], [sflag:$0x2], $0x2780, s17, s16, $0x38;
	[tilespmem:$0xC680] =	vst v63  }
0x69: {  	_ =	swait.ge [sflag:s12], $0x2780  }
0x6a: {  	[sflag:s12] =	ssyncset.done $0x0  }
0x6b: {  	[sflag:s12] =	ssyncadd.s32 $0xFFFFD880  }
0x6c: {  	s20 =	sadd.s32 $0x1, s20;
	_ =	swait.ge [sflag:s13], $0x2780  }
0x6d: {  	p0 =	sne.s32 s20, s8;
	[sflag:s13] =	ssyncset.done $0x0  }
.Ltmp2:
0x6e: {  	[sflag:s13] =	ssyncadd.s32 $0xFFFFD880;
	(pc) =	sbr.rel @p0 .LBB2_1-.Ltmp2, $4  }
0x6f: {  	[hbm4b:s7+s3] =	stream.linear.scatter [tilespmem:s18], [sflag:$0x3], $0x80, $0x38;
	[tilespmem:$0xC680] =	vst v63  }
0x70: {  	_ =	swait.ge [sflag:s19], $0x80  }
0x71: {  	[sflag:s19] =	ssyncset.done $0x0  }
0x72: {  	[sflag:s19] =	ssyncadd.s32 $0xFFFFFF80  }
0x73: {  	_ =	sfence.sel $0x180000  }
0x74: {  	[bflag:$0x0] =	sbarrier.arrive $0xFFFF  }
0x75: {  	p0 =	sne.s32 s0, $0x0;
	_ =	strace $0x90000047  }
0x76: {  	s0 =	sadd.s32 @!p0 $0x100000, s1;
	[bflag:$0x2] =	sbarrier.arrive $0xFFFF  }
0x77: {  	[sflag:s0] =	ssyncadd.tile.s32 @!p0 $0x1;
	_ =	shalt  }
.Lfunc_end2:
_tile_overlayer_lowered:
.L_overlay_start_2:
0x78: {  	(tag) =	ssettag $0x2  }
0x79: {  	s0 =	rddreg [dreg:$0x0];
	s2 =	stileid.u32  }
0x7a: {  	s1 =	rddreg [dreg:$0x1];
	p0 =	sne.s32 s2, $0x0  }
0x7b: {  	s3 =	rddreg [dreg:$0x2];
	[bflag:$0x3] =	sbarrier.arrive $0xFFFF;
	s2 =	simm.s32 @!p0 $0x1C03  }
0x7c: {  	[timem:s3], [sflag:s2] =	dma.local @!p0 [hbm:s0], s1  }
0x7d: {  	s0 =	simm.s32 @!p0 $0x3  }
0x7e: {  	_ =	swait.ge @!p0 [sflag:s0], s1  }
0x7f: {  	s1 =	ssub.s32 @!p0 $0x0, s1;
	[sflag:s0] =	ssyncset.done @!p0 $0x0  }
0x80: {  	[sflag:s0] =	ssyncadd.s32 @!p0 s1  }
0x81: {  	[bflag:$0x3] =	sbarrier.arrive $0xFFFF  }
0x82: {  	_ =	shalt  }

</sc_bundles>
